<compile_context>
chip_gen: v7x
topology: tpu7x:2x2x1
jax: 0.10.2.dev20260603
libtpu: 0.0.44.dev20260713+nightly
codegen_flags: <defaults>
</compile_context>

<pallas_src>
import functools

import jax
import jax.numpy as jnp
from jax import lax
from jax.experimental import pallas as pl
from jax.experimental.pallas import tpu as pltpu
from jax.experimental.pallas import tpu_sc as plsc

V = 8192
BF = 8192
NC = 2
NS = 16
NW = NC * NS
BPW = BF // NW
C = 4
NB = 2
A = 1
NCHUNK = BPW // C
NOUT = NCHUNK // NB

_mesh = plsc.VectorSubcoreMesh(core_axis_name="c", subcore_axis_name="s")


@functools.partial(
    pl.kernel,
    mesh=_mesh,
    out_type=jax.ShapeDtypeStruct((BF, V), jnp.float32),
    scratch_types=(
        [pltpu.VMEM((NCHUNK, C), jnp.int32)]
        + [pltpu.VMEM((C, V), jnp.float32)] * NB
        + [pltpu.SemaphoreType.DMA] * (2 * NB)
    ),
)
def _gather_kernel(idx_hbm, table_hbm, out_hbm, idx_v, *scratch):
    bufs = scratch[:NB]
    gsems = scratch[NB:2 * NB]
    wsems = scratch[2 * NB:]

    wid = lax.axis_index("s") * NC + lax.axis_index("c")
    base = wid * BPW
    pltpu.sync_copy(idx_hbm.at[wid], idx_v)

    def gcopy(g, b):
        return pltpu.make_async_copy(
            table_hbm.at[idx_v.at[g]], bufs[b], gsems[b])

    def wcopy(g, b):
        return pltpu.make_async_copy(
            bufs[b], out_hbm.at[pl.ds(base + g * C, C)], wsems[b])

    def step(g, b, first_round, last_round):
        gcopy(g, b).wait()
        wcopy(g, b).start()
        h = g + A
        hb = (b + A) % NB
        if last_round and b >= NB - A:
            return
        if not first_round or b >= NB - A:
            wcopy(h - NB, hb).wait()
        gcopy(h, hb).start()

    for j in range(A):
        gcopy(j, j).start()
    for b in range(NB):
        step(b, b, True, False)

    def body(o, carry):
        g0 = o * NB
        for b in range(NB):
            step(g0 + b, b, False, False)
        return carry

    lax.fori_loop(1, NOUT - 1, body, 0)

    g0 = (NOUT - 1) * NB
    for b in range(NB):
        step(g0 + b, b, False, True)
    for b in range(NB):
        wcopy(g0 + b, b).wait()


def kernel(idx, table):
    out = _gather_kernel(idx.reshape(NW, NCHUNK, C), table)
    return out.reshape(idx.shape + (V,))

# --- scband reference (transcript-rebuilt; emitter-appended) ---
"""Pipeline reference for scband-bigram-language-model-59270548685300 (READ-ONLY COPY).

The authoritative reference and input builder live on the scoring server;
editing this copy changes nothing except your own understanding.
"""

import jax, jax.numpy as jnp
import numpy as np

VOCAB = 8192
B, T = 4, 2048

def setup_inputs(seed: int = 0) -> dict:
    key = jax.random.key(seed)
    k1, k2 = jax.random.split(key)
    idx = jax.random.randint(k1, (B, T), 0, VOCAB, dtype=jnp.int32)
    # learned parameter: token embedding table of shape [vocab_size, vocab_size]
    table = jax.random.normal(k2, (VOCAB, VOCAB), dtype=jnp.float32) * 0.02
    return {"idx": idx, "table": table}

def reference(idx, table):
    # BigramLanguageModel.forward with targets=None:
    #   logits = self.token_embeddings(idx)  -> gather rows of the [V, V] table
    #   loss = None
    logits = jnp.take(table, idx, axis=0)  # [B, T, V]
    return logits

if __name__ == "__main__":
    import jax
    _d = setup_inputs()
    print(jax.jit(kernel)(*tuple(_d.values())))

</pallas_src>

<mosaic_0001>
#map = affine_map<(d0, d1) -> (0, 0, 0)>
#map1 = affine_map<(d0, d1) -> (0, 0)>
module attributes {stable_mosaic.version = 14 : i64} {
  func.func @_gather_kernel(%arg0: i32, %arg1: i32, %arg2: memref<32x64x4xi32, #tpu.memory_space<hbm>>, %arg3: memref<8192x8192xf32, #tpu.memory_space<hbm>>, %arg4: memref<8192x8192xf32, #tpu.memory_space<hbm>>, %arg5: memref<64x4xi32, #tpu.memory_space<vmem>>, %arg6: memref<4x8192xf32, #tpu.memory_space<vmem>>, %arg7: memref<4x8192xf32, #tpu.memory_space<vmem>>, %arg8: memref<!tpu.dma_semaphore, #tpu.memory_space<semaphore_mem>>, %arg9: memref<!tpu.dma_semaphore, #tpu.memory_space<semaphore_mem>>, %arg10: memref<!tpu.dma_semaphore, #tpu.memory_space<semaphore_mem>>, %arg11: memref<!tpu.dma_semaphore, #tpu.memory_space<semaphore_mem>>) attributes {dimension_semantics = [#tpu.dimension_semantics<core_parallel>, #tpu.dimension_semantics<subcore_parallel>], iteration_bounds = array<i64: 2, 16>, scalar_prefetch = 0 : i64, scratch_operands = 7 : i64, tpu.core_type = #tpu.core_type<sc_vector_subcore>, window_params = [{transform_indices = #map}, {transform_indices = #map1}, {transform_indices = #map1}]} {
    %mul3A = arith.constant 2 : i32
    %mul3A_0 = arith.muli %arg1, %mul3A : i32
    %add3A = arith.addi %mul3A_0, %arg0 : i32
    %mul3A_1 = arith.constant 256 : i32
    %mul3A_2 = arith.muli %add3A, %mul3A_1 : i32
    "tpu.region"() ({
      %run_scoped3A = tpu.sem_alloc : memref<!tpu.dma_semaphore, #tpu.memory_space<semaphore_mem>>
      %dma_start3A_110 = arith.constant 0 : i32
      %dma_start3A_111 = arith.constant 0 : i32
      %dma_start3A_112 = tpu.memref_slice %arg2[%add3A, %dma_start3A_110, %dma_start3A_111] : memref<32x64x4xi32, #tpu.memory_space<hbm>> -> memref<1x64x4xi32, #tpu.memory_space<hbm>>
      %dma_start3A_113 = tpu.memref_squeeze %dma_start3A_112 : memref<1x64x4xi32, #tpu.memory_space<hbm>> -> memref<64x4xi32, #tpu.memory_space<hbm>>
      %dma_start3A_114 = arith.constant 0 : i32
      %dma_start3A_115 = arith.constant 0 : i32
      %dma_start3A_116 = tpu.memref_slice %arg2[%add3A, %dma_start3A_114, %dma_start3A_115] : memref<32x64x4xi32, #tpu.memory_space<hbm>> -> memref<1x64x4xi32, #tpu.memory_space<hbm>>
      %dma_start3A_117 = tpu.memref_squeeze %dma_start3A_116 : memref<1x64x4xi32, #tpu.memory_space<hbm>> -> memref<64x4xi32, #tpu.memory_space<hbm>>
      tpu.enqueue_dma source(%dma_start3A_117 : memref<64x4xi32, #tpu.memory_space<hbm>>) target(%arg5 : memref<64x4xi32, #tpu.memory_space<vmem>>) target_semaphore(%run_scoped3A : memref<!tpu.dma_semaphore, #tpu.memory_space<semaphore_mem>>)
      %dma_wait3A_118 = arith.constant 0 : i32
      %dma_wait3A_119 = arith.constant 0 : i32
      %dma_wait3A_120 = tpu.memref_slice %arg2[%add3A, %dma_wait3A_118, %dma_wait3A_119] : memref<32x64x4xi32, #tpu.memory_space<hbm>> -> memref<1x64x4xi32, #tpu.memory_space<hbm>>
      %dma_wait3A_121 = tpu.memref_squeeze %dma_wait3A_120 : memref<1x64x4xi32, #tpu.memory_space<hbm>> -> memref<64x4xi32, #tpu.memory_space<hbm>>
      %dma_wait3A_122 = arith.constant 0 : i32
      %dma_wait3A_123 = arith.constant 0 : i32
      %dma_wait3A_124 = tpu.memref_slice %arg2[%add3A, %dma_wait3A_122, %dma_wait3A_123] : memref<32x64x4xi32, #tpu.memory_space<hbm>> -> memref<1x64x4xi32, #tpu.memory_space<hbm>>
      %dma_wait3A_125 = tpu.memref_squeeze %dma_wait3A_124 : memref<1x64x4xi32, #tpu.memory_space<hbm>> -> memref<64x4xi32, #tpu.memory_space<hbm>>
      tpu.wait_dma2 semaphore(%run_scoped3A : memref<!tpu.dma_semaphore, #tpu.memory_space<semaphore_mem>>) src(%dma_wait3A_125 : memref<64x4xi32, #tpu.memory_space<hbm>>) dst(%arg5 : memref<64x4xi32, #tpu.memory_space<vmem>>)
      tpu.yield
    }) : () -> ()
    %dma_start3A = arith.constant 0 : i32
    %dma_start3A_3 = arith.constant 0 : i32
    %dma_start3A_4 = tpu.memref_slice %arg5[%dma_start3A, %dma_start3A_3] : memref<64x4xi32, #tpu.memory_space<vmem>> -> memref<1x4xi32, #tpu.memory_space<vmem>>
    %dma_start3A_5 = tpu.memref_squeeze %dma_start3A_4 : memref<1x4xi32, #tpu.memory_space<vmem>> -> memref<4xi32, #tpu.memory_space<vmem>>
    %dma_start3A_6 = arith.constant 0 : i32
    %dma_start3A_7 = arith.constant 0 : i32
    %dma_start3A_8 = tpu.memref_slice %arg3[%dma_start3A_6, %dma_start3A_7] : memref<8192x8192xf32, #tpu.memory_space<hbm>> -> memref<8192x8192xf32, #tpu.memory_space<hbm>>
    tpu.enqueue_indirect_dma source(%dma_start3A_8 : memref<8192x8192xf32, #tpu.memory_space<hbm>>) target(%arg6 : memref<4x8192xf32, #tpu.memory_space<vmem>>) offsets(%dma_start3A_5 : memref<4xi32, #tpu.memory_space<vmem>>) semaphore(%arg8 : memref<!tpu.dma_semaphore, #tpu.memory_space<semaphore_mem>>)
    %dma_wait3A = arith.constant 0 : i32
    %dma_wait3A_9 = arith.constant 0 : i32
    %dma_wait3A_10 = tpu.memref_slice %arg5[%dma_wait3A, %dma_wait3A_9] : memref<64x4xi32, #tpu.memory_space<vmem>> -> memref<1x4xi32, #tpu.memory_space<vmem>>
    %dma_wait3A_11 = tpu.memref_squeeze %dma_wait3A_10 : memref<1x4xi32, #tpu.memory_space<vmem>> -> memref<4xi32, #tpu.memory_space<vmem>>
    %dma_wait3A_12 = arith.constant 0 : i32
    %dma_wait3A_13 = arith.constant 0 : i32
    %dma_wait3A_14 = tpu.memref_slice %arg3[%dma_wait3A_12, %dma_wait3A_13] : memref<8192x8192xf32, #tpu.memory_space<hbm>> -> memref<8192x8192xf32, #tpu.memory_space<hbm>>
    tpu.wait_indirect_dma semaphore(%arg8 : memref<!tpu.dma_semaphore, #tpu.memory_space<semaphore_mem>>) src(%dma_wait3A_14 : memref<8192x8192xf32, #tpu.memory_space<hbm>>) dst(%arg6 : memref<4x8192xf32, #tpu.memory_space<vmem>>)
    %add3A_15 = arith.constant 0 : i32
    %add3A_16 = arith.addi %mul3A_2, %add3A_15 : i32
    %dma_start3A_17 = arith.constant 0 : i32
    %dma_start3A_18 = tpu.memref_slice %arg4[%add3A_16, %dma_start3A_17] : memref<8192x8192xf32, #tpu.memory_space<hbm>> -> memref<4x8192xf32, #tpu.memory_space<hbm>>
    %dma_start3A_19 = arith.constant 0 : i32
    %dma_start3A_20 = tpu.memref_slice %arg4[%add3A_16, %dma_start3A_19] : memref<8192x8192xf32, #tpu.memory_space<hbm>> -> memref<4x8192xf32, #tpu.memory_space<hbm>>
    tpu.enqueue_dma source(%arg6 : memref<4x8192xf32, #tpu.memory_space<vmem>>) target(%dma_start3A_20 : memref<4x8192xf32, #tpu.memory_space<hbm>>) target_semaphore(%arg10 : memref<!tpu.dma_semaphore, #tpu.memory_space<semaphore_mem>>)
    %dma_start3A_21 = arith.constant 1 : i32
    %dma_start3A_22 = arith.constant 0 : i32
    %dma_start3A_23 = tpu.memref_slice %arg5[%dma_start3A_21, %dma_start3A_22] : memref<64x4xi32, #tpu.memory_space<vmem>> -> memref<1x4xi32, #tpu.memory_space<vmem>>
    %dma_start3A_24 = tpu.memref_squeeze %dma_start3A_23 : memref<1x4xi32, #tpu.memory_space<vmem>> -> memref<4xi32, #tpu.memory_space<vmem>>
    %dma_start3A_25 = arith.constant 0 : i32
    %dma_start3A_26 = arith.constant 0 : i32
    %dma_start3A_27 = tpu.memref_slice %arg3[%dma_start3A_25, %dma_start3A_26] : memref<8192x8192xf32, #tpu.memory_space<hbm>> -> memref<8192x8192xf32, #tpu.memory_space<hbm>>
    tpu.enqueue_indirect_dma source(%dma_start3A_27 : memref<8192x8192xf32, #tpu.memory_space<hbm>>) target(%arg7 : memref<4x8192xf32, #tpu.memory_space<vmem>>) offsets(%dma_start3A_24 : memref<4xi32, #tpu.memory_space<vmem>>) semaphore(%arg9 : memref<!tpu.dma_semaphore, #tpu.memory_space<semaphore_mem>>)
    %dma_wait3A_28 = arith.constant 1 : i32
    %dma_wait3A_29 = arith.constant 0 : i32
    %dma_wait3A_30 = tpu.memref_slice %arg5[%dma_wait3A_28, %dma_wait3A_29] : memref<64x4xi32, #tpu.memory_space<vmem>> -> memref<1x4xi32, #tpu.memory_space<vmem>>
    %dma_wait3A_31 = tpu.memref_squeeze %dma_wait3A_30 : memref<1x4xi32, #tpu.memory_space<vmem>> -> memref<4xi32, #tpu.memory_space<vmem>>
    %dma_wait3A_32 = arith.constant 0 : i32
    %dma_wait3A_33 = arith.constant 0 : i32
    %dma_wait3A_34 = tpu.memref_slice %arg3[%dma_wait3A_32, %dma_wait3A_33] : memref<8192x8192xf32, #tpu.memory_space<hbm>> -> memref<8192x8192xf32, #tpu.memory_space<hbm>>
    tpu.wait_indirect_dma semaphore(%arg9 : memref<!tpu.dma_semaphore, #tpu.memory_space<semaphore_mem>>) src(%dma_wait3A_34 : memref<8192x8192xf32, #tpu.memory_space<hbm>>) dst(%arg7 : memref<4x8192xf32, #tpu.memory_space<vmem>>)
    %add3A_35 = arith.constant 4 : i32
    %add3A_36 = arith.addi %mul3A_2, %add3A_35 : i32
    %dma_start3A_37 = arith.constant 0 : i32
    %dma_start3A_38 = tpu.memref_slice %arg4[%add3A_36, %dma_start3A_37] : memref<8192x8192xf32, #tpu.memory_space<hbm>> -> memref<4x8192xf32, #tpu.memory_space<hbm>>
    %dma_start3A_39 = arith.constant 0 : i32
    %dma_start3A_40 = tpu.memref_slice %arg4[%add3A_36, %dma_start3A_39] : memref<8192x8192xf32, #tpu.memory_space<hbm>> -> memref<4x8192xf32, #tpu.memory_space<hbm>>
    tpu.enqueue_dma source(%arg7 : memref<4x8192xf32, #tpu.memory_space<vmem>>) target(%dma_start3A_40 : memref<4x8192xf32, #tpu.memory_space<hbm>>) target_semaphore(%arg11 : memref<!tpu.dma_semaphore, #tpu.memory_space<semaphore_mem>>)
    %add3A_41 = arith.constant 0 : i32
    %add3A_42 = arith.addi %mul3A_2, %add3A_41 : i32
    %dma_wait3A_43 = arith.constant 0 : i32
    %dma_wait3A_44 = tpu.memref_slice %arg4[%add3A_42, %dma_wait3A_43] : memref<8192x8192xf32, #tpu.memory_space<hbm>> -> memref<4x8192xf32, #tpu.memory_space<hbm>>
    %dma_wait3A_45 = arith.constant 0 : i32
    %dma_wait3A_46 = tpu.memref_slice %arg4[%add3A_42, %dma_wait3A_45] : memref<8192x8192xf32, #tpu.memory_space<hbm>> -> memref<4x8192xf32, #tpu.memory_space<hbm>>
    tpu.wait_dma2 semaphore(%arg10 : memref<!tpu.dma_semaphore, #tpu.memory_space<semaphore_mem>>) src(%arg6 : memref<4x8192xf32, #tpu.memory_space<vmem>>) dst(%dma_wait3A_46 : memref<4x8192xf32, #tpu.memory_space<hbm>>)
    %dma_start3A_47 = arith.constant 2 : i32
    %dma_start3A_48 = arith.constant 0 : i32
    %dma_start3A_49 = tpu.memref_slice %arg5[%dma_start3A_47, %dma_start3A_48] : memref<64x4xi32, #tpu.memory_space<vmem>> -> memref<1x4xi32, #tpu.memory_space<vmem>>
    %dma_start3A_50 = tpu.memref_squeeze %dma_start3A_49 : memref<1x4xi32, #tpu.memory_space<vmem>> -> memref<4xi32, #tpu.memory_space<vmem>>
    %dma_start3A_51 = arith.constant 0 : i32
    %dma_start3A_52 = arith.constant 0 : i32
    %dma_start3A_53 = tpu.memref_slice %arg3[%dma_start3A_51, %dma_start3A_52] : memref<8192x8192xf32, #tpu.memory_space<hbm>> -> memref<8192x8192xf32, #tpu.memory_space<hbm>>
    tpu.enqueue_indirect_dma source(%dma_start3A_53 : memref<8192x8192xf32, #tpu.memory_space<hbm>>) target(%arg6 : memref<4x8192xf32, #tpu.memory_space<vmem>>) offsets(%dma_start3A_50 : memref<4xi32, #tpu.memory_space<vmem>>) semaphore(%arg8 : memref<!tpu.dma_semaphore, #tpu.memory_space<semaphore_mem>>)
    %scan3A = arith.constant 0 : i32
    %scan3A_54 = arith.constant 1 : i32
    %scan3A_55 = arith.constant 30 : i32
    %scan3A_56 = arith.addi %scan3A_54, %scan3A_55 : i32
    %scan3A_57 = arith.constant 1 : i32
    scf.for %scan3A_110 = %scan3A_54 to %scan3A_56 step %scan3A_57  : i32 {
      %mul3A_111 = arith.constant 2 : i32
      %mul3A_112 = arith.muli %scan3A_110, %mul3A_111 : i32
      %add3A_113 = arith.constant 0 : i32
      %add3A_114 = arith.addi %mul3A_112, %add3A_113 : i32
      %dma_wait3A_115 = arith.constant 0 : i32
      %dma_wait3A_116 = tpu.memref_slice %arg5[%add3A_114, %dma_wait3A_115] : memref<64x4xi32, #tpu.memory_space<vmem>> -> memref<1x4xi32, #tpu.memory_space<vmem>>
      %dma_wait3A_117 = tpu.memref_squeeze %dma_wait3A_116 : memref<1x4xi32, #tpu.memory_space<vmem>> -> memref<4xi32, #tpu.memory_space<vmem>>
      %dma_wait3A_118 = arith.constant 0 : i32
      %dma_wait3A_119 = arith.constant 0 : i32
      %dma_wait3A_120 = tpu.memref_slice %arg3[%dma_wait3A_118, %dma_wait3A_119] : memref<8192x8192xf32, #tpu.memory_space<hbm>> -> memref<8192x8192xf32, #tpu.memory_space<hbm>>
      tpu.wait_indirect_dma semaphore(%arg8 : memref<!tpu.dma_semaphore, #tpu.memory_space<semaphore_mem>>) src(%dma_wait3A_120 : memref<8192x8192xf32, #tpu.memory_space<hbm>>) dst(%arg6 : memref<4x8192xf32, #tpu.memory_space<vmem>>)
      %mul3A_121 = arith.constant 4 : i32
      %mul3A_122 = arith.muli %add3A_114, %mul3A_121 : i32
      %add3A_123 = arith.addi %mul3A_2, %mul3A_122 : i32
      %dma_start3A_124 = arith.constant 0 : i32
      %dma_start3A_125 = tpu.memref_slice %arg4[%add3A_123, %dma_start3A_124] : memref<8192x8192xf32, #tpu.memory_space<hbm>> -> memref<4x8192xf32, #tpu.memory_space<hbm>>
      %dma_start3A_126 = arith.constant 0 : i32
      %dma_start3A_127 = tpu.memref_slice %arg4[%add3A_123, %dma_start3A_126] : memref<8192x8192xf32, #tpu.memory_space<hbm>> -> memref<4x8192xf32, #tpu.memory_space<hbm>>
      tpu.enqueue_dma source(%arg6 : memref<4x8192xf32, #tpu.memory_space<vmem>>) target(%dma_start3A_127 : memref<4x8192xf32, #tpu.memory_space<hbm>>) target_semaphore(%arg10 : memref<!tpu.dma_semaphore, #tpu.memory_space<semaphore_mem>>)
      %add3A_128 = arith.constant 1 : i32
      %add3A_129 = arith.addi %add3A_114, %add3A_128 : i32
      %sub3A = arith.constant 2 : i32
      %sub3A_130 = arith.subi %add3A_129, %sub3A : i32
      %mul3A_131 = arith.constant 4 : i32
      %mul3A_132 = arith.muli %sub3A_130, %mul3A_131 : i32
      %add3A_133 = arith.addi %mul3A_2, %mul3A_132 : i32
      %dma_wait3A_134 = arith.constant 0 : i32
      %dma_wait3A_135 = tpu.memref_slice %arg4[%add3A_133, %dma_wait3A_134] : memref<8192x8192xf32, #tpu.memory_space<hbm>> -> memref<4x8192xf32, #tpu.memory_space<hbm>>
      %dma_wait3A_136 = arith.constant 0 : i32
      %dma_wait3A_137 = tpu.memref_slice %arg4[%add3A_133, %dma_wait3A_136] : memref<8192x8192xf32, #tpu.memory_space<hbm>> -> memref<4x8192xf32, #tpu.memory_space<hbm>>
      tpu.wait_dma2 semaphore(%arg11 : memref<!tpu.dma_semaphore, #tpu.memory_space<semaphore_mem>>) src(%arg7 : memref<4x8192xf32, #tpu.memory_space<vmem>>) dst(%dma_wait3A_137 : memref<4x8192xf32, #tpu.memory_space<hbm>>)
      %dma_start3A_138 = arith.constant 0 : i32
      %dma_start3A_139 = tpu.memref_slice %arg5[%add3A_129, %dma_start3A_138] : memref<64x4xi32, #tpu.memory_space<vmem>> -> memref<1x4xi32, #tpu.memory_space<vmem>>
      %dma_start3A_140 = tpu.memref_squeeze %dma_start3A_139 : memref<1x4xi32, #tpu.memory_space<vmem>> -> memref<4xi32, #tpu.memory_space<vmem>>
      %dma_start3A_141 = arith.constant 0 : i32
      %dma_start3A_142 = arith.constant 0 : i32
      %dma_start3A_143 = tpu.memref_slice %arg3[%dma_start3A_141, %dma_start3A_142] : memref<8192x8192xf32, #tpu.memory_space<hbm>> -> memref<8192x8192xf32, #tpu.memory_space<hbm>>
      tpu.enqueue_indirect_dma source(%dma_start3A_143 : memref<8192x8192xf32, #tpu.memory_space<hbm>>) target(%arg7 : memref<4x8192xf32, #tpu.memory_space<vmem>>) offsets(%dma_start3A_140 : memref<4xi32, #tpu.memory_space<vmem>>) semaphore(%arg9 : memref<!tpu.dma_semaphore, #tpu.memory_space<semaphore_mem>>)
      %add3A_144 = arith.constant 1 : i32
      %add3A_145 = arith.addi %mul3A_112, %add3A_144 : i32
      %dma_wait3A_146 = arith.constant 0 : i32
      %dma_wait3A_147 = tpu.memref_slice %arg5[%add3A_145, %dma_wait3A_146] : memref<64x4xi32, #tpu.memory_space<vmem>> -> memref<1x4xi32, #tpu.memory_space<vmem>>
      %dma_wait3A_148 = tpu.memref_squeeze %dma_wait3A_147 : memref<1x4xi32, #tpu.memory_space<vmem>> -> memref<4xi32, #tpu.memory_space<vmem>>
      %dma_wait3A_149 = arith.constant 0 : i32
      %dma_wait3A_150 = arith.constant 0 : i32
      %dma_wait3A_151 = tpu.memref_slice %arg3[%dma_wait3A_149, %dma_wait3A_150] : memref<8192x8192xf32, #tpu.memory_space<hbm>> -> memref<8192x8192xf32, #tpu.memory_space<hbm>>
      tpu.wait_indirect_dma semaphore(%arg9 : memref<!tpu.dma_semaphore, #tpu.memory_space<semaphore_mem>>) src(%dma_wait3A_151 : memref<8192x8192xf32, #tpu.memory_space<hbm>>) dst(%arg7 : memref<4x8192xf32, #tpu.memory_space<vmem>>)
      %mul3A_152 = arith.constant 4 : i32
      %mul3A_153 = arith.muli %add3A_145, %mul3A_152 : i32
      %add3A_154 = arith.addi %mul3A_2, %mul3A_153 : i32
      %dma_start3A_155 = arith.constant 0 : i32
      %dma_start3A_156 = tpu.memref_slice %arg4[%add3A_154, %dma_start3A_155] : memref<8192x8192xf32, #tpu.memory_space<hbm>> -> memref<4x8192xf32, #tpu.memory_space<hbm>>
      %dma_start3A_157 = arith.constant 0 : i32
      %dma_start3A_158 = tpu.memref_slice %arg4[%add3A_154, %dma_start3A_157] : memref<8192x8192xf32, #tpu.memory_space<hbm>> -> memref<4x8192xf32, #tpu.memory_space<hbm>>
      tpu.enqueue_dma source(%arg7 : memref<4x8192xf32, #tpu.memory_space<vmem>>) target(%dma_start3A_158 : memref<4x8192xf32, #tpu.memory_space<hbm>>) target_semaphore(%arg11 : memref<!tpu.dma_semaphore, #tpu.memory_space<semaphore_mem>>)
      %add3A_159 = arith.constant 1 : i32
      %add3A_160 = arith.addi %add3A_145, %add3A_159 : i32
      %sub3A_161 = arith.constant 2 : i32
      %sub3A_162 = arith.subi %add3A_160, %sub3A_161 : i32
      %mul3A_163 = arith.constant 4 : i32
      %mul3A_164 = arith.muli %sub3A_162, %mul3A_163 : i32
      %add3A_165 = arith.addi %mul3A_2, %mul3A_164 : i32
      %dma_wait3A_166 = arith.constant 0 : i32
      %dma_wait3A_167 = tpu.memref_slice %arg4[%add3A_165, %dma_wait3A_166] : memref<8192x8192xf32, #tpu.memory_space<hbm>> -> memref<4x8192xf32, #tpu.memory_space<hbm>>
      %dma_wait3A_168 = arith.constant 0 : i32
      %dma_wait3A_169 = tpu.memref_slice %arg4[%add3A_165, %dma_wait3A_168] : memref<8192x8192xf32, #tpu.memory_space<hbm>> -> memref<4x8192xf32, #tpu.memory_space<hbm>>
      tpu.wait_dma2 semaphore(%arg10 : memref<!tpu.dma_semaphore, #tpu.memory_space<semaphore_mem>>) src(%arg6 : memref<4x8192xf32, #tpu.memory_space<vmem>>) dst(%dma_wait3A_169 : memref<4x8192xf32, #tpu.memory_space<hbm>>)
      %dma_start3A_170 = arith.constant 0 : i32
      %dma_start3A_171 = tpu.memref_slice %arg5[%add3A_160, %dma_start3A_170] : memref<64x4xi32, #tpu.memory_space<vmem>> -> memref<1x4xi32, #tpu.memory_space<vmem>>
      %dma_start3A_172 = tpu.memref_squeeze %dma_start3A_171 : memref<1x4xi32, #tpu.memory_space<vmem>> -> memref<4xi32, #tpu.memory_space<vmem>>
      %dma_start3A_173 = arith.constant 0 : i32
      %dma_start3A_174 = arith.constant 0 : i32
      %dma_start3A_175 = tpu.memref_slice %arg3[%dma_start3A_173, %dma_start3A_174] : memref<8192x8192xf32, #tpu.memory_space<hbm>> -> memref<8192x8192xf32, #tpu.memory_space<hbm>>
      tpu.enqueue_indirect_dma source(%dma_start3A_175 : memref<8192x8192xf32, #tpu.memory_space<hbm>>) target(%arg6 : memref<4x8192xf32, #tpu.memory_space<vmem>>) offsets(%dma_start3A_172 : memref<4xi32, #tpu.memory_space<vmem>>) semaphore(%arg8 : memref<!tpu.dma_semaphore, #tpu.memory_space<semaphore_mem>>)
    }
    %scan3A_58 = arith.constant 30 : i32
    %dma_wait3A_59 = arith.constant 62 : i32
    %dma_wait3A_60 = arith.constant 0 : i32
    %dma_wait3A_61 = tpu.memref_slice %arg5[%dma_wait3A_59, %dma_wait3A_60] : memref<64x4xi32, #tpu.memory_space<vmem>> -> memref<1x4xi32, #tpu.memory_space<vmem>>
    %dma_wait3A_62 = tpu.memref_squeeze %dma_wait3A_61 : memref<1x4xi32, #tpu.memory_space<vmem>> -> memref<4xi32, #tpu.memory_space<vmem>>
    %dma_wait3A_63 = arith.constant 0 : i32
    %dma_wait3A_64 = arith.constant 0 : i32
    %dma_wait3A_65 = tpu.memref_slice %arg3[%dma_wait3A_63, %dma_wait3A_64] : memref<8192x8192xf32, #tpu.memory_space<hbm>> -> memref<8192x8192xf32, #tpu.memory_space<hbm>>
    tpu.wait_indirect_dma semaphore(%arg8 : memref<!tpu.dma_semaphore, #tpu.memory_space<semaphore_mem>>) src(%dma_wait3A_65 : memref<8192x8192xf32, #tpu.memory_space<hbm>>) dst(%arg6 : memref<4x8192xf32, #tpu.memory_space<vmem>>)
    %add3A_66 = arith.constant 248 : i32
    %add3A_67 = arith.addi %mul3A_2, %add3A_66 : i32
    %dma_start3A_68 = arith.constant 0 : i32
    %dma_start3A_69 = tpu.memref_slice %arg4[%add3A_67, %dma_start3A_68] : memref<8192x8192xf32, #tpu.memory_space<hbm>> -> memref<4x8192xf32, #tpu.memory_space<hbm>>
    %dma_start3A_70 = arith.constant 0 : i32
    %dma_start3A_71 = tpu.memref_slice %arg4[%add3A_67, %dma_start3A_70] : memref<8192x8192xf32, #tpu.memory_space<hbm>> -> memref<4x8192xf32, #tpu.memory_space<hbm>>
    tpu.enqueue_dma source(%arg6 : memref<4x8192xf32, #tpu.memory_space<vmem>>) target(%dma_start3A_71 : memref<4x8192xf32, #tpu.memory_space<hbm>>) target_semaphore(%arg10 : memref<!tpu.dma_semaphore, #tpu.memory_space<semaphore_mem>>)
    %add3A_72 = arith.constant 244 : i32
    %add3A_73 = arith.addi %mul3A_2, %add3A_72 : i32
    %dma_wait3A_74 = arith.constant 0 : i32
    %dma_wait3A_75 = tpu.memref_slice %arg4[%add3A_73, %dma_wait3A_74] : memref<8192x8192xf32, #tpu.memory_space<hbm>> -> memref<4x8192xf32, #tpu.memory_space<hbm>>
    %dma_wait3A_76 = arith.constant 0 : i32
    %dma_wait3A_77 = tpu.memref_slice %arg4[%add3A_73, %dma_wait3A_76] : memref<8192x8192xf32, #tpu.memory_space<hbm>> -> memref<4x8192xf32, #tpu.memory_space<hbm>>
    tpu.wait_dma2 semaphore(%arg11 : memref<!tpu.dma_semaphore, #tpu.memory_space<semaphore_mem>>) src(%arg7 : memref<4x8192xf32, #tpu.memory_space<vmem>>) dst(%dma_wait3A_77 : memref<4x8192xf32, #tpu.memory_space<hbm>>)
    %dma_start3A_78 = arith.constant 63 : i32
    %dma_start3A_79 = arith.constant 0 : i32
    %dma_start3A_80 = tpu.memref_slice %arg5[%dma_start3A_78, %dma_start3A_79] : memref<64x4xi32, #tpu.memory_space<vmem>> -> memref<1x4xi32, #tpu.memory_space<vmem>>
    %dma_start3A_81 = tpu.memref_squeeze %dma_start3A_80 : memref<1x4xi32, #tpu.memory_space<vmem>> -> memref<4xi32, #tpu.memory_space<vmem>>
    %dma_start3A_82 = arith.constant 0 : i32
    %dma_start3A_83 = arith.constant 0 : i32
    %dma_start3A_84 = tpu.memref_slice %arg3[%dma_start3A_82, %dma_start3A_83] : memref<8192x8192xf32, #tpu.memory_space<hbm>> -> memref<8192x8192xf32, #tpu.memory_space<hbm>>
    tpu.enqueue_indirect_dma source(%dma_start3A_84 : memref<8192x8192xf32, #tpu.memory_space<hbm>>) target(%arg7 : memref<4x8192xf32, #tpu.memory_space<vmem>>) offsets(%dma_start3A_81 : memref<4xi32, #tpu.memory_space<vmem>>) semaphore(%arg9 : memref<!tpu.dma_semaphore, #tpu.memory_space<semaphore_mem>>)
    %dma_wait3A_85 = arith.constant 63 : i32
    %dma_wait3A_86 = arith.constant 0 : i32
    %dma_wait3A_87 = tpu.memref_slice %arg5[%dma_wait3A_85, %dma_wait3A_86] : memref<64x4xi32, #tpu.memory_space<vmem>> -> memref<1x4xi32, #tpu.memory_space<vmem>>
    %dma_wait3A_88 = tpu.memref_squeeze %dma_wait3A_87 : memref<1x4xi32, #tpu.memory_space<vmem>> -> memref<4xi32, #tpu.memory_space<vmem>>
    %dma_wait3A_89 = arith.constant 0 : i32
    %dma_wait3A_90 = arith.constant 0 : i32
    %dma_wait3A_91 = tpu.memref_slice %arg3[%dma_wait3A_89, %dma_wait3A_90] : memref<8192x8192xf32, #tpu.memory_space<hbm>> -> memref<8192x8192xf32, #tpu.memory_space<hbm>>
    tpu.wait_indirect_dma semaphore(%arg9 : memref<!tpu.dma_semaphore, #tpu.memory_space<semaphore_mem>>) src(%dma_wait3A_91 : memref<8192x8192xf32, #tpu.memory_space<hbm>>) dst(%arg7 : memref<4x8192xf32, #tpu.memory_space<vmem>>)
    %add3A_92 = arith.constant 252 : i32
    %add3A_93 = arith.addi %mul3A_2, %add3A_92 : i32
    %dma_start3A_94 = arith.constant 0 : i32
    %dma_start3A_95 = tpu.memref_slice %arg4[%add3A_93, %dma_start3A_94] : memref<8192x8192xf32, #tpu.memory_space<hbm>> -> memref<4x8192xf32, #tpu.memory_space<hbm>>
    %dma_start3A_96 = arith.constant 0 : i32
    %dma_start3A_97 = tpu.memref_slice %arg4[%add3A_93, %dma_start3A_96] : memref<8192x8192xf32, #tpu.memory_space<hbm>> -> memref<4x8192xf32, #tpu.memory_space<hbm>>
    tpu.enqueue_dma source(%arg7 : memref<4x8192xf32, #tpu.memory_space<vmem>>) target(%dma_start3A_97 : memref<4x8192xf32, #tpu.memory_space<hbm>>) target_semaphore(%arg11 : memref<!tpu.dma_semaphore, #tpu.memory_space<semaphore_mem>>)
    %add3A_98 = arith.constant 248 : i32
    %add3A_99 = arith.addi %mul3A_2, %add3A_98 : i32
    %dma_wait3A_100 = arith.constant 0 : i32
    %dma_wait3A_101 = tpu.memref_slice %arg4[%add3A_99, %dma_wait3A_100] : memref<8192x8192xf32, #tpu.memory_space<hbm>> -> memref<4x8192xf32, #tpu.memory_space<hbm>>
    %dma_wait3A_102 = arith.constant 0 : i32
    %dma_wait3A_103 = tpu.memref_slice %arg4[%add3A_99, %dma_wait3A_102] : memref<8192x8192xf32, #tpu.memory_space<hbm>> -> memref<4x8192xf32, #tpu.memory_space<hbm>>
    tpu.wait_dma2 semaphore(%arg10 : memref<!tpu.dma_semaphore, #tpu.memory_space<semaphore_mem>>) src(%arg6 : memref<4x8192xf32, #tpu.memory_space<vmem>>) dst(%dma_wait3A_103 : memref<4x8192xf32, #tpu.memory_space<hbm>>)
    %add3A_104 = arith.constant 252 : i32
    %add3A_105 = arith.addi %mul3A_2, %add3A_104 : i32
    %dma_wait3A_106 = arith.constant 0 : i32
    %dma_wait3A_107 = tpu.memref_slice %arg4[%add3A_105, %dma_wait3A_106] : memref<8192x8192xf32, #tpu.memory_space<hbm>> -> memref<4x8192xf32, #tpu.memory_space<hbm>>
    %dma_wait3A_108 = arith.constant 0 : i32
    %dma_wait3A_109 = tpu.memref_slice %arg4[%add3A_105, %dma_wait3A_108] : memref<8192x8192xf32, #tpu.memory_space<hbm>> -> memref<4x8192xf32, #tpu.memory_space<hbm>>
    tpu.wait_dma2 semaphore(%arg11 : memref<!tpu.dma_semaphore, #tpu.memory_space<semaphore_mem>>) src(%arg7 : memref<4x8192xf32, #tpu.memory_space<vmem>>) dst(%dma_wait3A_109 : memref<4x8192xf32, #tpu.memory_space<hbm>>)
    return
  }
}

</mosaic_0001>

<sc_bundles>
// kernel: kernel.3.cloned.1.call-start
scs
__scs_entry_jumppad:
0x0: {  	(pc) =	sbr.rel $0x88, $3  }
0x1: {  	(tag) =	ssettag $0x0;
	lr =	simm.s32 $0x1  }
0x2: {  	[smem:$0x3F9F] =	sst lr;
	_ =	strace $0xD0000000  }
0x3: {  	_ = 	snop  }
0x4: {  	_ = 	snop  }
0x5: {  	_ = 	snop  }
0x6: {  	_ = 	snop  }
0x7: {  	_ = 	snop  }
__scs_overlays_trampoline_lowered:
0x8: {  	[smem:$0x3FAE] =	sst s0  }
0x9: {  	[smem:$0x3FAF] =	sst s1  }
0xa: {  	[smem:$0x3FB0] =	sst s2  }
0xb: {  	[smem:$0x3FB1] =	sst s3  }
0xc: {  	[smem:$0x3FB2] =	sst s4  }
0xd: {  	[smem:$0x3FB3] =	sst s5  }
0xe: {  	[smem:$0x3FB4] =	sst s6  }
0xf: {  	[smem:$0x3FB5] =	sst s7  }
0x10: {  	[smem:$0x3FB6] =	sst s8  }
0x11: {  	[smem:$0x3FB7] =	sst s9;
	s0 =	simm.s32 @!p0 $0x0  }
0x12: {  	s1 =	sld [smem:$0x3F9D];
	s0 =	simm.s32 @p0 $0x1  }
0x13: {  	[smem:$0x3FB8] =	sst s0;
	s0 =	simm.s32 @!p1 $0x0  }
0x14: {  	s2 =	sld [smem:$0x3F9C];
	s0 =	simm.s32 @p1 $0x1  }
0x15: {  	[smem:$0x3FB9] =	sst s0;
	s0 =	simm.s32 @!p2 $0x0  }
0x16: {  	s3 =	sld [smem:$0x3FDB];
	s0 =	simm.s32 @p2 $0x1  }
0x17: {  	s4 =	simm.s32 $0x1BF5;
	[smem:$0x3FBB] =	sst s0  }
0x18: {  	s0 =	sld [smem:$0x3F9E];
	_ =	swait.ge [sflag:s4], $0x0  }
0x19: {  	s7 =	sld [smem:$0x3F9F]  }
0x1a: {  	s8 =	sadd.s32 $0xFFFFE003, lr  }
0x1b: {  	s9 =	sadd.s32 $0xFFFFFEF7, lr;
	s5 =	simm.s32 $0xFFFFFFFF;
	p2 =	slt.u32 s8, $0xFFFFF086  }
0x1c: {  	p1 =	slt.u32 s9, $0xF7A;
	s5 =	simm.s32 @!p2 $0x0  }
0x1d: {  	s5 =	simm.s32 @p1 $0x1;
	p0 =	seq.s32 s7, s2  }
0x1e: {  	s7 =	smul.u32 @!p0 $0xF7A, s2;
	p2 =	seq.s32 @!p0 s5, $0x0  }
0x1f: {  	s9 =	smul.u32 $0xF7A, s1;
	s8 =	simm.s32 @!p0 $0x1BF5;
	p2 =	por !p2, p0  }
0x20: {  	[sflag:s8] =	ssyncset.s32 @!p0 $0xFFFFF086;
	s6 =	sadd.s32 @!p0 s3, s7;
	s7 =	simm.s32 @!p0 $0x108  }
0x21: {  	s3 =	sadd.s32 s3, s9;
	s6 =	sadd.s32 @!p0 $0x88, s6;
	s7 =	simm.s32 @p2 $0x1082  }
0x22: {  	[simem:s7], [sflag:s8] =	dma.local @!p0 [hbm:s6], $0xF7A  }
0x23: {  	s9 =	sor.u32 $0xD0000000, s2;
	s6 =	simm.s32 $0x108;
	_ =	swait.ge @!p0 [sflag:s8], $0x0  }
0x24: {  	s3 =	sadd.s32 $0x88, s3;
	s6 =	simm.s32 @!p1 $0x1082;
	[sflag:s4] =	ssyncset.s32 $0xFFFFF086  }
0x25: {  	[simem:s6], [sflag:s4] =	dma.local [hbm:s3], $0xF7A  }
0x26: {  	[smem:$0x3F9F] =	sst s1;
	(tag) =	ssettag s2;
	_ =	strace s9  }
0x27: {  	s1 =	sld [smem:$0x3FAF]  }
0x28: {  	s2 =	sld [smem:$0x3FB0]  }
0x29: {  	s4 =	sld [smem:$0x3FB2]  }
0x2a: {  	p0 =	seq.s32 s5, $0x0;
	s5 =	sld [smem:$0x3FB3]  }
0x2b: {  	s6 =	sld [smem:$0x3FB4]  }
0x2c: {  	s7 =	sld [smem:$0x3FB5]  }
0x2d: {  	s3 =	simm.s32 $0x108;
	s8 =	sld [smem:$0x3FB6]  }
0x2e: {  	s3 =	simm.s32 @!p0 $0x1082;
	s9 =	sld [smem:$0x3FB7]  }
0x2f: {  	lr =	sadd.s32 s0, s3;
	s0 =	sld [smem:$0x3FAE]  }
0x30: {  	s3 =	sld [smem:$0x3FB1]  }
0x31: {  	[smem:$0x3FBA] =	sst s10  }
0x32: {  	s10 =	sld [smem:$0x3FB8];
	_ =	sdelay $0x3  }
0x33: {  	p0 =	seq.s32 s10, $0x1;
	s10 =	sld [smem:$0x3FBA];
	_ =	sdelay $0x3  }
0x34: {  	[smem:$0x3FBA] =	sst s10  }
0x35: {  	s10 =	sld [smem:$0x3FB9];
	_ =	sdelay $0x3  }
0x36: {  	p1 =	seq.s32 s10, $0x1;
	s10 =	sld [smem:$0x3FBA];
	_ =	sdelay $0x3  }
0x37: {  	[smem:$0x3FBA] =	sst s10  }
0x38: {  	s10 =	sld [smem:$0x3FBB]  }
0x39: {  	_ = 	snop;
	(pc) =	sbr.ind lr, $3  }
0x3a: {  	_ = 	snop  }
0x3b: {  	_ = 	snop  }
0x3c: {  	p2 =	seq.s32 s10, $0x1;
	s10 =	sld [smem:$0x3FBA]  }
0x3d: {  	_ =	shalt  }
0x3e: {  	_ =	shalt  }
0x3f: {  	_ =	shalt  }
0x40: {  	_ =	shalt  }
0x41: {  	_ =	shalt  }
0x42: {  	_ =	shalt  }
0x43: {  	_ =	shalt  }
0x44: {  	_ =	shalt  }
0x45: {  	_ =	shalt  }
0x46: {  	_ =	shalt  }
0x47: {  	_ =	shalt  }
0x48: {  	_ =	shalt  }
0x49: {  	_ =	shalt  }
0x4a: {  	_ =	shalt  }
0x4b: {  	_ =	shalt  }
0x4c: {  	_ =	shalt  }
0x4d: {  	_ =	shalt  }
0x4e: {  	_ =	shalt  }
0x4f: {  	_ =	shalt  }
0x50: {  	_ =	shalt  }
0x51: {  	_ =	shalt  }
0x52: {  	_ =	shalt  }
0x53: {  	_ =	shalt  }
0x54: {  	_ =	shalt  }
0x55: {  	_ =	shalt  }
0x56: {  	_ =	shalt  }
0x57: {  	_ =	shalt  }
0x58: {  	_ =	shalt  }
0x59: {  	_ =	shalt  }
0x5a: {  	_ =	shalt  }
0x5b: {  	_ =	shalt  }
0x5c: {  	_ =	shalt  }
0x5d: {  	_ =	shalt  }
0x5e: {  	_ =	shalt  }
0x5f: {  	_ =	shalt  }
0x60: {  	_ =	shalt  }
0x61: {  	_ =	shalt  }
0x62: {  	_ =	shalt  }
0x63: {  	_ =	shalt  }
0x64: {  	_ =	shalt  }
0x65: {  	_ =	shalt  }
0x66: {  	_ =	shalt  }
0x67: {  	_ =	shalt  }
0x68: {  	_ =	shalt  }
0x69: {  	_ =	shalt  }
0x6a: {  	_ =	shalt  }
0x6b: {  	_ =	shalt  }
0x6c: {  	_ =	shalt  }
0x6d: {  	_ =	shalt  }
0x6e: {  	_ =	shalt  }
0x6f: {  	_ =	shalt  }
0x70: {  	_ =	shalt  }
0x71: {  	_ =	shalt  }
0x72: {  	_ =	shalt  }
0x73: {  	_ =	shalt  }
0x74: {  	_ =	shalt  }
0x75: {  	_ =	shalt  }
0x76: {  	_ =	shalt  }
0x77: {  	_ =	shalt  }
0x78: {  	_ =	shalt  }
0x79: {  	_ =	shalt  }
0x7a: {  	_ =	shalt  }
0x7b: {  	_ =	shalt  }
0x7c: {  	_ =	shalt  }
0x7d: {  	_ =	shalt  }
0x7e: {  	_ =	shalt  }
0x7f: {  	_ =	shalt  }
0x80: {  	_ =	shalt  }
0x81: {  	_ =	shalt  }
0x82: {  	_ =	shalt  }
0x83: {  	_ =	shalt  }
0x84: {  	_ =	shalt  }
0x85: {  	_ =	shalt  }
0x86: {  	_ =	shalt  }
0x87: {  	_ =	shalt  }
.Lfunc_end0:
.L_simem_size_0:
called_computation_lowered:
.L_overlay_start_0:
0x88: {  	s2 =	sld [smem:$0x3FD9]  }
0x89: {  	s3 =	sld [smem:$0x3FFE];
	_ =	sdelay $0x1  }
0x8a: {  	s1 =	srdreg.scid  }
0x8b: {  	s0 =	sand.u32 $0x1, s1  }
0x8c: {  	s17 =	sshll.u32 s0, $0xA;
	s2 =	sadd.s32 s3, s2  }
0x8d: {  	s2 =	sadd.s32 s2, s17  }
0x8e: {  	[smem:$0x3FC6] =	sst s2  }
0x8f: {  	_ = 	snop  }
0x90: {  	s2 =	sld [smem:$0x3FC8]  }
0x91: {  	s18 =	sld [smem:$0x3FD0];
	(tm) =	ssettm $0x1  }
0x92: {  	s4 =	sld [smem:$0x3FFB];
	_ =	sdelay $0x3  }
0x93: {  	_ =	strace s4  }
0x94: {  	s4 =	sld [smem:$0x3FFC];
	_ =	sdelay $0x3  }
0x95: {  	_ =	strace s4  }
0x96: {  	s4 =	sld [smem:$0x3FFD];
	_ =	sdelay $0x3  }
0x97: {  	_ =	strace s4  }
0x98: {  	_ =	strace $0x8FFFFFFF  }
0x99: {  	s19 =	sld [smem:$0x3FDB];
	_ =	sdelay $0x1  }
0x9a: {  	s5 =	simm.s32 $_scs_section_size  }
0x9b: {  	s6 =	simm.s32 $_size__tile_overlayer_lowered;
	s7 =	simm.s32 $_tile_overlayer_lowered  }
0x9c: {  	s22 =	simm.s32 $0x1BFF;
	s21 =	sshll.u32 s7, $0x1;
	s4 =	sadd.s32 s5, s19  }
0x9d: {  	s8 =	simm.s32 $0x0;
	s20 =	sshll.u32 s6, $0x1;
	s6 =	sadd.s32 s21, s4  }
0x9e: {  	[timem:s8], [sflag:s22] =	dma.local [hbm:s6], s20  }
0x9f: {  	_ =	swait.ge [sflag:s22], s20  }
0xa0: {  	s5 =	ssub.s32 $0x0, s20;
	[sflag:s22] =	ssyncset.done $0x0  }
0xa1: {  	[sflag:s22] =	ssyncadd.s32 s5;
	_ =	sdelay $0x1  }
0xa2: {  	s23 =	simm.s32 $0x1B8B  }
0xa3: {  	_ =	swait.ge [sflag:s23], $0x1  }
0xa4: {  	[sflag:s23] =	ssyncset.done $0x0  }
0xa5: {  	s25 =	simm.s32 $0x1B8E;
	s24 =	sld [smem:$0x3FFE];
	[sflag:s23] =	ssyncadd.s32 $0xFFFFFFFF  }
0xa6: {  	s26 =	simm.s32 $execute0_lowered;
	[smem:$0x3FD2] =	sst s25  }
0xa7: {  	s6 =	sshll.u32 s26, $0x1;
	_ =	strace $0x80000046;
	[dreg:$0x1] =	wrdreg $0xFFFFFFFF  }
0xa8: {  	s28 =	simm.s32 $_size_execute0_lowered;
	s4 =	sadd.s32 s4, s6;
	[dreg:$0x0] =	wrdreg $0x0  }
0xa9: {  	s6 =	sshll.u32 s28, $0x1;
	[dreg:$0x2] =	wrdreg s4  }
0xaa: {  	[dreg:$0x3] =	wrdreg s6  }
0xab: {  	[dreg:$0x4] =	wrdreg $0xC0  }
0xac: {  	_ =	task [dreg:s8], $0x5FFFF  }
0xad: {  	[dreg:$0x1] =	wrdreg $0xFFFFFFFF  }
0xae: {  	[dreg:$0x0] =	wrdreg $0x60  }
0xaf: {  	[dreg:$0x2] =	wrdreg s24  }
0xb0: {  	[dreg:$0x3] =	wrdreg s2  }
0xb1: {  	[dreg:$0x4] =	wrdreg s18  }
0xb2: {  	[dreg:$0x5] =	wrdreg $0x9  }
0xb3: {  	_ =	task.clear_ibuf [dreg:s8], $0x6FFFF;
	_ =	strace $0x90000046  }
0xb4: {  	s29 =	simm.s32 $0x9;
	_ =	strace $0x80000048  }
0xb5: {  	_ =	swait.ge [sflag:s29], $0x1  }
0xb6: {  	[sflag:s29] =	ssyncadd.s32 $0xFFFFFFFF  }
0xb7: {  	_ =	strace $0x90000048  }
0xb8: {  	_ =	sfence  }
0xb9: {  	s30 =	sld [smem:$0x0];
	_ =	sdelay $0x2  }
0xba: {  	s31 =	sshll.u32 s1, $0xD;
	s1 =	sshrl.u32 s1, $0x2  }
0xbb: {  	s3 =	sand.u32 $0x4000, s31;
	s1 =	sadd.s32 s1, s30  }
0xbc: {  	s0 =	sor.u32 s3, s0;
	s1 =	sshll.u32 s1, $0x11  }
0xbd: {  	s0 =	sor.u32 s1, s0  }
0xbe: {  	s0 =	sadd.s32 $0x8F2B, s0  }
0xbf: {  	[sflag:s0] =	ssyncadd.remote.s32 $0x1  }
0xc0: {  	_ =	sfence.sel $0xFFFF  }
0xc1: {  	[dreg:$0x0] =	wrdreg $0xFFFFFFFF;
	(pc) =	sbr.abs _section_cstart, $3  }
0xc2: {  	[dreg:$0x1] =	wrdreg $0xFFFFFFFF  }
0xc3: {  	_ =	task.clear_ibuf [dreg:s8], $0x2FFFF;
	_ =	strace $0x9FFFFFFF  }
0xc4: {  	(tm) =	ssettm $0x7FFFFFFF  }
0xc5: {  	_ =	shalt  }
tec
execute0_lowered:
.L_overlay_start_1:
0x0: {  	(tag) =	ssettag $0x1  }
0x1: {  	s0 =	rddreg [dreg:$0x0]  }
0x2: {  	s2 =	rddreg [dreg:$0x1];
	s1 =	srdreg.scid  }
0x3: {  	s21 =	stileid.u32;
	s4 =	rddreg [dreg:$0x2]  }
0x4: {  	s28 =	simm.s32 $0x5800;
	s31 =	simm.s32 $0x1;
	s29 =	simm.s32 $0x3  }
0x5: {  	s30 =	simm.s32 $0x4;
	s1 =	sand.u32 $0x1, s1;
	s3 =	sshll.u32 s21, $0x1  }
0x6: {  	s7 =	sadd.s32 $0x600, s2;
	s8 =	sadd.s32 $0x800, s2;
	s9 =	sadd.s32 $0xA00, s2  }
0x7: {  	s10 =	sadd.s32 $0xC00, s2;
	s11 =	sadd.s32 $0xE00, s2;
	s12 =	sadd.s32 $0x1000, s2  }
0x8: {  	s13 =	sadd.s32 $0x1200, s2;
	s14 =	sadd.s32 $0x1400, s2;
	s15 =	sadd.s32 $0x1600, s2  }
0x9: {  	s16 =	sadd.s32 $0x1800, s2;
	s17 =	sadd.s32 $0x1A00, s2;
	s18 =	sadd.s32 $0x1C00, s2  }
0xa: {  	s19 =	sor.u32 s1, s3;
	s3 =	simm.s32 $0x0;
	s6 =	ssub.s32 $0x2, s1  }
0xb: {  	s1 =	sshll.u32 s1, $0x12;
	s5 =	sshll.u32 s19, $0xA;
	[smem:$0x7FF] =	sst s3  }
0xc: {  	s25 =	sshrl.u32 s6, $0x1;
	s26 =	sshll.u32 s19, $0x12;
	s19 =	sadd.s32 $0x1E00, s2  }
0xd: {  	s0 =	sadd.s32 s5, s0;
	_ =	strace $0x80000047;
	s22 =	sadd.s32 s4, s26  }
0xe: {  	s20 =	ssub.s32 s6, s25;
	s0 =	sadd.s32 $0x400, s0;
	[dreg:$0x5] =	wrdreg s22  }
0xf: {  	s5 =	sadd.s32 $0x200, s2;
	s23 =	sadd.s32 $0x40, s22;
	[dreg:$0x4] =	wrdreg s0  }
0x10: {  	s6 =	sadd.s32 $0x400, s2;
	s24 =	sadd.s32 $0x3E000, s22;
	[dreg:$0x6] =	wrdreg s23  }
0x11: {  	s2 =	sshll.u32 s21, $0x13;
	s25 =	sadd.s32 $0x3E040, s22;
	[dreg:$0x7] =	wrdreg s24  }
0x12: {  	s26 =	smax.u32 s20, $0x1;
	s20 =	simm.s32 $0x4800;
	[dreg:$0x8] =	wrdreg s25  }
0x13: {  	s0 =	sadd.s32 s2, s4;
	[dreg:$0x9] =	wrdreg s26;
	s23 =	simm.s32 $0x2800  }
0x14: {  	v0 =	vlaneseq.u32;
	s24 =	simm.s32 $0x3000;
	s4 =	simm.s32 $0x3800;
	s0 =	sadd.s32 s1, s0  }
0x15: {  	v1 =	vshrl.u32 v0, $0x2;
	s25 =	simm.s32 $0x4000;
	s26 =	simm.s32 $0x2;
	s0 =	sadd.s32 $0x2000, s0  }
0x16: {  	vm0 =	vmmov $0xffff;
	v0 =	vand.u32 $0x3, v0;
	v1 =	vmul.u32 $0x8, v1;
	s1 =	simm.s32 $0x0;
	[dreg:$0xa] =	wrdreg s0;
	s0 =	simm.s32 $0x5000  }
.LBB2_1:
0x17: {  	[dreg:$0xb] =	wrdreg s1  }
0x18: {  	s21 =	rddreg [dreg:$0x4];
	s2 =	simm.s32 $0x5  }
0x19: {  	[tilespmem:s3], [sflag:$0x5] =	stream.linear.gather [hbm4b:s21+s3], $0x2000, $0x38;
	[tilespmem:$0x12000] =	vst v63  }
0x1a: {  	_ =	swait.ge [sflag:s2], $0x2000  }
0x1b: {  	[sflag:s2] =	ssyncset.done $0x0  }
0x1c: {  	[sflag:s2] =	ssyncadd.s32 $0xFFFFE000  }
0x1d: {  	v2 =	vld.msk [tilespmem:$0x0], $0xf;
	_ =	sdelay $0x4  }
0x1e: {  	v3 =	vshll.u32 v2, $0x6  }
0x1f: {  	v2 =	vand.u32 $0x7, v2;
	v3 =	vand.u32 $0xFFFFFE00, v3  }
0x20: {  	v2 =	vor.u32 v2, v3  }
0x21: {  	v2 =	vperm.xlane v2, v0;
	_ =	sdelay $0x1  }
0x22: {  	v2 =	vadd.s32 v1, v2;
	_ =	sdelay $0x3  }
0x23: {  	s22 =	simm.s32 $0x2000;
	s2 =	rddreg [dreg:$0x1]  }
0x24: {  	[tilespmem:s22], [sflag:$0x1] =	stream.indirect_vreg.gather [hbm4b:s2+s3], $0x80, v2, vm0, $0xb8;
	[tilespmem:$0x12000] =	vst v63  }
0x25: {  	_ = 	snop  }
0x26: {  	[tilespmem:s23], [sflag:$0x1] =	stream.indirect_vreg.gather [hbm4b:s5+s3], $0x80, v2, vm0, $0xb8;
	[tilespmem:$0x12000] =	vst v63  }
0x27: {  	_ = 	snop  }
0x28: {  	[tilespmem:s24], [sflag:$0x1] =	stream.indirect_vreg.gather [hbm4b:s6+s3], $0x80, v2, vm0, $0xb8;
	[tilespmem:$0x12000] =	vst v63  }
0x29: {  	_ = 	snop  }
0x2a: {  	[tilespmem:s4], [sflag:$0x1] =	stream.indirect_vreg.gather [hbm4b:s7+s3], $0x80, v2, vm0, $0xb8;
	[tilespmem:$0x12000] =	vst v63  }
0x2b: {  	_ = 	snop  }
0x2c: {  	[tilespmem:s25], [sflag:$0x1] =	stream.indirect_vreg.gather [hbm4b:s8+s3], $0x80, v2, vm0, $0xb8;
	[tilespmem:$0x12000] =	vst v63  }
0x2d: {  	_ = 	snop  }
0x2e: {  	[tilespmem:s20], [sflag:$0x1] =	stream.indirect_vreg.gather [hbm4b:s9+s3], $0x80, v2, vm0, $0xb8;
	[tilespmem:$0x12000] =	vst v63  }
0x2f: {  	_ = 	snop  }
0x30: {  	[tilespmem:s0], [sflag:$0x1] =	stream.indirect_vreg.gather [hbm4b:s10+s3], $0x80, v2, vm0, $0xb8;
	[tilespmem:$0x12000] =	vst v63  }
0x31: {  	_ = 	snop  }
0x32: {  	[tilespmem:s28], [sflag:$0x1] =	stream.indirect_vreg.gather [hbm4b:s11+s3], $0x80, v2, vm0, $0xb8;
	[tilespmem:$0x12000] =	vst v63  }
0x33: {  	s4 =	simm.s32 $0x6000  }
0x34: {  	[tilespmem:s4], [sflag:$0x1] =	stream.indirect_vreg.gather [hbm4b:s12+s3], $0x80, v2, vm0, $0xb8;
	[tilespmem:$0x12000] =	vst v63  }
0x35: {  	s21 =	simm.s32 $0x6800  }
0x36: {  	[tilespmem:s21], [sflag:$0x1] =	stream.indirect_vreg.gather [hbm4b:s13+s3], $0x80, v2, vm0, $0xb8;
	[tilespmem:$0x12000] =	vst v63  }
0x37: {  	s22 =	simm.s32 $0x7000  }
0x38: {  	[tilespmem:s22], [sflag:$0x1] =	stream.indirect_vreg.gather [hbm4b:s14+s3], $0x80, v2, vm0, $0xb8;
	[tilespmem:$0x12000] =	vst v63  }
0x39: {  	s4 =	simm.s32 $0x7800  }
0x3a: {  	[tilespmem:s4], [sflag:$0x1] =	stream.indirect_vreg.gather [hbm4b:s15+s3], $0x80, v2, vm0, $0xb8;
	[tilespmem:$0x12000] =	vst v63  }
0x3b: {  	s21 =	simm.s32 $0x8000  }
0x3c: {  	[tilespmem:s21], [sflag:$0x1] =	stream.indirect_vreg.gather [hbm4b:s16+s3], $0x80, v2, vm0, $0xb8;
	[tilespmem:$0x12000] =	vst v63  }
0x3d: {  	s22 =	simm.s32 $0x8800  }
0x3e: {  	[tilespmem:s22], [sflag:$0x1] =	stream.indirect_vreg.gather [hbm4b:s17+s3], $0x80, v2, vm0, $0xb8;
	[tilespmem:$0x12000] =	vst v63  }
0x3f: {  	s4 =	simm.s32 $0x9000  }
0x40: {  	[tilespmem:s4], [sflag:$0x1] =	stream.indirect_vreg.gather [hbm4b:s18+s3], $0x80, v2, vm0, $0xb8;
	[tilespmem:$0x12000] =	vst v63  }
0x41: {  	s21 =	simm.s32 $0x9800  }
0x42: {  	[tilespmem:s21], [sflag:$0x1] =	stream.indirect_vreg.gather [hbm4b:s19+s3], $0x80, v2, vm0, $0xb8;
	[tilespmem:$0x12000] =	vst v63  }
0x43: {  	_ =	swait.ge [sflag:s31], $0x8000  }
0x44: {  	s1 =	simm.s32 $0x2000;
	s22 =	simm.s32 $0x200;
	[sflag:s31] =	ssyncset.done $0x0  }
0x45: {  	s4 =	simm.s32 $0x400;
	s21 =	rddreg [dreg:$0x5];
	[sflag:s31] =	ssyncadd.s32 $0xFFFF8000  }
0x46: {  	[hbm4b:s21+s22] =	stream.strided.scatter [tilespmem:s1], [sflag:$0x3], $0x8000, s4, s22, $0x38;
	[tilespmem:$0x12000] =	vst v63  }
0x47: {  	v2 =	vld.msk [tilespmem:$0x80], $0xf;
	_ =	sdelay $0x4  }
0x48: {  	v3 =	vshll.u32 v2, $0x6  }
0x49: {  	v2 =	vand.u32 $0x7, v2;
	v3 =	vand.u32 $0xFFFFFE00, v3  }
0x4a: {  	v2 =	vor.u32 v2, v3  }
0x4b: {  	v2 =	vperm.xlane v2, v0;
	_ =	sdelay $0x1  }
0x4c: {  	v2 =	vadd.s32 v1, v2;
	_ =	sdelay $0x3  }
0x4d: {  	s4 =	simm.s32 $0xA000  }
0x4e: {  	[tilespmem:s4], [sflag:$0x2] =	stream.indirect_vreg.gather [hbm4b:s2+s3], $0x80, v2, vm0, $0xb8;
	[tilespmem:$0x12000] =	vst v63  }
0x4f: {  	s21 =	simm.s32 $0xA800  }
0x50: {  	[tilespmem:s21], [sflag:$0x2] =	stream.indirect_vreg.gather [hbm4b:s5+s3], $0x80, v2, vm0, $0xb8;
	[tilespmem:$0x12000] =	vst v63  }
0x51: {  	s21 =	simm.s32 $0xB000  }
0x52: {  	[tilespmem:s21], [sflag:$0x2] =	stream.indirect_vreg.gather [hbm4b:s6+s3], $0x80, v2, vm0, $0xb8;
	[tilespmem:$0x12000] =	vst v63  }
0x53: {  	s21 =	simm.s32 $0xB800  }
0x54: {  	[tilespmem:s21], [sflag:$0x2] =	stream.indirect_vreg.gather [hbm4b:s7+s3], $0x80, v2, vm0, $0xb8;
	[tilespmem:$0x12000] =	vst v63  }
0x55: {  	s21 =	simm.s32 $0xC000  }
0x56: {  	[tilespmem:s21], [sflag:$0x2] =	stream.indirect_vreg.gather [hbm4b:s8+s3], $0x80, v2, vm0, $0xb8;
	[tilespmem:$0x12000] =	vst v63  }
0x57: {  	s21 =	simm.s32 $0xC800  }
0x58: {  	[tilespmem:s21], [sflag:$0x2] =	stream.indirect_vreg.gather [hbm4b:s9+s3], $0x80, v2, vm0, $0xb8;
	[tilespmem:$0x12000] =	vst v63  }
0x59: {  	s21 =	simm.s32 $0xD000  }
0x5a: {  	[tilespmem:s21], [sflag:$0x2] =	stream.indirect_vreg.gather [hbm4b:s10+s3], $0x80, v2, vm0, $0xb8;
	[tilespmem:$0x12000] =	vst v63  }
0x5b: {  	s21 =	simm.s32 $0xD800  }
0x5c: {  	[tilespmem:s21], [sflag:$0x2] =	stream.indirect_vreg.gather [hbm4b:s11+s3], $0x80, v2, vm0, $0xb8;
	[tilespmem:$0x12000] =	vst v63  }
0x5d: {  	s21 =	simm.s32 $0xE000  }
0x5e: {  	[tilespmem:s21], [sflag:$0x2] =	stream.indirect_vreg.gather [hbm4b:s12+s3], $0x80, v2, vm0, $0xb8;
	[tilespmem:$0x12000] =	vst v63  }
0x5f: {  	s21 =	simm.s32 $0xE800  }
0x60: {  	[tilespmem:s21], [sflag:$0x2] =	stream.indirect_vreg.gather [hbm4b:s13+s3], $0x80, v2, vm0, $0xb8;
	[tilespmem:$0x12000] =	vst v63  }
0x61: {  	s21 =	simm.s32 $0xF000  }
0x62: {  	[tilespmem:s21], [sflag:$0x2] =	stream.indirect_vreg.gather [hbm4b:s14+s3], $0x80, v2, vm0, $0xb8;
	[tilespmem:$0x12000] =	vst v63  }
0x63: {  	s21 =	simm.s32 $0xF800  }
0x64: {  	[tilespmem:s21], [sflag:$0x2] =	stream.indirect_vreg.gather [hbm4b:s15+s3], $0x80, v2, vm0, $0xb8;
	[tilespmem:$0x12000] =	vst v63  }
0x65: {  	s21 =	simm.s32 $0x10000  }
0x66: {  	[tilespmem:s21], [sflag:$0x2] =	stream.indirect_vreg.gather [hbm4b:s16+s3], $0x80, v2, vm0, $0xb8;
	[tilespmem:$0x12000] =	vst v63  }
0x67: {  	s21 =	simm.s32 $0x10800  }
0x68: {  	[tilespmem:s21], [sflag:$0x2] =	stream.indirect_vreg.gather [hbm4b:s17+s3], $0x80, v2, vm0, $0xb8;
	[tilespmem:$0x12000] =	vst v63  }
0x69: {  	s21 =	simm.s32 $0x11000  }
0x6a: {  	[tilespmem:s21], [sflag:$0x2] =	stream.indirect_vreg.gather [hbm4b:s18+s3], $0x80, v2, vm0, $0xb8;
	[tilespmem:$0x12000] =	vst v63  }
0x6b: {  	s21 =	simm.s32 $0x11800  }
0x6c: {  	[tilespmem:s21], [sflag:$0x2] =	stream.indirect_vreg.gather [hbm4b:s19+s3], $0x80, v2, vm0, $0xb8;
	[tilespmem:$0x12000] =	vst v63  }
0x6d: {  	_ =	swait.ge [sflag:s26], $0x8000  }
0x6e: {  	s22 =	simm.s32 $0x200;
	[sflag:s26] =	ssyncset.done $0x0  }
0x6f: {  	s1 =	simm.s32 $0x400;
	s21 =	rddreg [dreg:$0x6];
	[sflag:s26] =	ssyncadd.s32 $0xFFFF8000  }
0x70: {  	[hbm4b:s21+s22] =	stream.strided.scatter [tilespmem:s4], [sflag:$0x4], $0x8000, s1, s22, $0x38;
	[tilespmem:$0x12000] =	vst v63  }
0x71: {  	_ =	swait.ge [sflag:s29], $0x8000  }
0x72: {  	[sflag:s29] =	ssyncset.done $0x0  }
0x73: {  	[sflag:s29] =	ssyncadd.s32 $0xFFFF8000  }
0x74: {  	v2 =	vld.msk [tilespmem:$0x100], $0xf;
	_ =	sdelay $0x4  }
0x75: {  	v3 =	vshll.u32 v2, $0x6  }
0x76: {  	v2 =	vand.u32 $0x7, v2;
	v3 =	vand.u32 $0xFFFFFE00, v3  }
0x77: {  	v2 =	vor.u32 v2, v3  }
0x78: {  	v2 =	vperm.xlane v2, v0;
	_ =	sdelay $0x1  }
0x79: {  	v2 =	vadd.s32 v1, v2;
	_ =	sdelay $0x3  }
0x7a: {  	s22 =	simm.s32 $0x2000  }
0x7b: {  	[tilespmem:s22], [sflag:$0x1] =	stream.indirect_vreg.gather [hbm4b:s2+s3], $0x80, v2, vm0, $0xb8;
	[tilespmem:$0x12000] =	vst v63  }
0x7c: {  	_ = 	snop  }
0x7d: {  	[tilespmem:s23], [sflag:$0x1] =	stream.indirect_vreg.gather [hbm4b:s5+s3], $0x80, v2, vm0, $0xb8;
	[tilespmem:$0x12000] =	vst v63  }
0x7e: {  	_ = 	snop  }
0x7f: {  	[tilespmem:s24], [sflag:$0x1] =	stream.indirect_vreg.gather [hbm4b:s6+s3], $0x80, v2, vm0, $0xb8;
	[tilespmem:$0x12000] =	vst v63  }
0x80: {  	s2 =	simm.s32 $0x3800  }
0x81: {  	[tilespmem:s2], [sflag:$0x1] =	stream.indirect_vreg.gather [hbm4b:s7+s3], $0x80, v2, vm0, $0xb8;
	[tilespmem:$0x12000] =	vst v63  }
0x82: {  	_ = 	snop  }
0x83: {  	[tilespmem:s25], [sflag:$0x1] =	stream.indirect_vreg.gather [hbm4b:s8+s3], $0x80, v2, vm0, $0xb8;
	[tilespmem:$0x12000] =	vst v63  }
0x84: {  	_ = 	snop  }
0x85: {  	[tilespmem:s20], [sflag:$0x1] =	stream.indirect_vreg.gather [hbm4b:s9+s3], $0x80, v2, vm0, $0xb8;
	[tilespmem:$0x12000] =	vst v63  }
0x86: {  	_ = 	snop  }
0x87: {  	[tilespmem:s0], [sflag:$0x1] =	stream.indirect_vreg.gather [hbm4b:s10+s3], $0x80, v2, vm0, $0xb8;
	[tilespmem:$0x12000] =	vst v63  }
0x88: {  	_ = 	snop  }
0x89: {  	[tilespmem:s28], [sflag:$0x1] =	stream.indirect_vreg.gather [hbm4b:s11+s3], $0x80, v2, vm0, $0xb8;
	[tilespmem:$0x12000] =	vst v63  }
0x8a: {  	s4 =	simm.s32 $0x6000  }
0x8b: {  	[tilespmem:s4], [sflag:$0x1] =	stream.indirect_vreg.gather [hbm4b:s12+s3], $0x80, v2, vm0, $0xb8;
	[tilespmem:$0x12000] =	vst v63  }
0x8c: {  	s20 =	simm.s32 $0x6800  }
0x8d: {  	[tilespmem:s20], [sflag:$0x1] =	stream.indirect_vreg.gather [hbm4b:s13+s3], $0x80, v2, vm0, $0xb8;
	[tilespmem:$0x12000] =	vst v63  }
0x8e: {  	s21 =	simm.s32 $0x7000  }
0x8f: {  	[tilespmem:s21], [sflag:$0x1] =	stream.indirect_vreg.gather [hbm4b:s14+s3], $0x80, v2, vm0, $0xb8;
	[tilespmem:$0x12000] =	vst v63  }
0x90: {  	s22 =	simm.s32 $0x7800  }
0x91: {  	[tilespmem:s22], [sflag:$0x1] =	stream.indirect_vreg.gather [hbm4b:s15+s3], $0x80, v2, vm0, $0xb8;
	[tilespmem:$0x12000] =	vst v63  }
0x92: {  	s23 =	simm.s32 $0x8000  }
0x93: {  	[tilespmem:s23], [sflag:$0x1] =	stream.indirect_vreg.gather [hbm4b:s16+s3], $0x80, v2, vm0, $0xb8;
	[tilespmem:$0x12000] =	vst v63  }
0x94: {  	s24 =	simm.s32 $0x8800  }
0x95: {  	[tilespmem:s24], [sflag:$0x1] =	stream.indirect_vreg.gather [hbm4b:s17+s3], $0x80, v2, vm0, $0xb8;
	[tilespmem:$0x12000] =	vst v63  }
0x96: {  	s2 =	simm.s32 $0x4800;
	s25 =	simm.s32 $0x9000;
	s28 =	simm.s32 $0x9800  }
0x97: {  	[tilespmem:s25], [sflag:$0x1] =	stream.indirect_vreg.gather [hbm4b:s18+s3], $0x80, v2, vm0, $0xb8;
	[tilespmem:$0x12000] =	vst v63  }
0x98: {  	s21 =	rddreg [dreg:$0xa];
	s22 =	simm.s32 $0x0;
	s25 =	simm.s32 $0x3800  }
0x99: {  	[tilespmem:s28], [sflag:$0x1] =	stream.indirect_vreg.gather [hbm4b:s19+s3], $0x80, v2, vm0, $0xb8;
	[tilespmem:$0x12000] =	vst v63  }
.LBB2_2:
0x9a: {  	_ =	swait.ge [sflag:s31], $0x8000  }
0x9b: {  	s0 =	simm.s32 $0x2000;
	[sflag:s31] =	ssyncset.done $0x0  }
0x9c: {  	s1 =	simm.s32 $0x200;
	s4 =	simm.s32 $0x400;
	[sflag:s31] =	ssyncadd.s32 $0xFFFF8000  }
0x9d: {  	[hbm4b:s21+s1] =	stream.strided.scatter [tilespmem:s0], [sflag:$0x3], $0x8000, s4, s1, $0x38;
	[tilespmem:$0x12000] =	vst v63  }
0x9e: {  	_ =	swait.ge [sflag:s30], $0x8000  }
0x9f: {  	[sflag:s30] =	ssyncset.done $0x0  }
0xa0: {  	s23 =	sshra.s32 s22, $0x2;
	[sflag:s30] =	ssyncadd.s32 $0xFFFF8000  }
0xa1: {  	v2 =	vld.msk [tilespmem:s23+$0x180], $0xf;
	_ =	sdelay $0x4  }
0xa2: {  	v3 =	vshll.u32 v2, $0x6  }
0xa3: {  	v2 =	vand.u32 $0x7, v2;
	v3 =	vand.u32 $0xFFFFFE00, v3  }
0xa4: {  	v2 =	vor.u32 v2, v3  }
0xa5: {  	v2 =	vperm.xlane v2, v0;
	_ =	sdelay $0x1  }
0xa6: {  	v2 =	vadd.s32 v1, v2;
	_ =	sdelay $0x3  }
0xa7: {  	s20 =	simm.s32 $0xA000;
	s28 =	rddreg [dreg:$0x1]  }
0xa8: {  	[tilespmem:s20], [sflag:$0x2] =	stream.indirect_vreg.gather [hbm4b:s28+s3], $0x80, v2, vm0, $0xb8;
	[tilespmem:$0x12000] =	vst v63  }
0xa9: {  	s24 =	simm.s32 $0xA800  }
0xaa: {  	[tilespmem:s24], [sflag:$0x2] =	stream.indirect_vreg.gather [hbm4b:s5+s3], $0x80, v2, vm0, $0xb8;
	[tilespmem:$0x12000] =	vst v63  }
0xab: {  	s24 =	simm.s32 $0xB000  }
0xac: {  	[tilespmem:s24], [sflag:$0x2] =	stream.indirect_vreg.gather [hbm4b:s6+s3], $0x80, v2, vm0, $0xb8;
	[tilespmem:$0x12000] =	vst v63  }
0xad: {  	s24 =	simm.s32 $0xB800  }
0xae: {  	[tilespmem:s24], [sflag:$0x2] =	stream.indirect_vreg.gather [hbm4b:s7+s3], $0x80, v2, vm0, $0xb8;
	[tilespmem:$0x12000] =	vst v63  }
0xaf: {  	s24 =	simm.s32 $0xC000  }
0xb0: {  	[tilespmem:s24], [sflag:$0x2] =	stream.indirect_vreg.gather [hbm4b:s8+s3], $0x80, v2, vm0, $0xb8;
	[tilespmem:$0x12000] =	vst v63  }
0xb1: {  	s24 =	simm.s32 $0xC800  }
0xb2: {  	[tilespmem:s24], [sflag:$0x2] =	stream.indirect_vreg.gather [hbm4b:s9+s3], $0x80, v2, vm0, $0xb8;
	[tilespmem:$0x12000] =	vst v63  }
0xb3: {  	s24 =	simm.s32 $0xD000  }
0xb4: {  	[tilespmem:s24], [sflag:$0x2] =	stream.indirect_vreg.gather [hbm4b:s10+s3], $0x80, v2, vm0, $0xb8;
	[tilespmem:$0x12000] =	vst v63  }
0xb5: {  	s24 =	simm.s32 $0xD800  }
0xb6: {  	[tilespmem:s24], [sflag:$0x2] =	stream.indirect_vreg.gather [hbm4b:s11+s3], $0x80, v2, vm0, $0xb8;
	[tilespmem:$0x12000] =	vst v63  }
0xb7: {  	s24 =	simm.s32 $0xE000  }
0xb8: {  	[tilespmem:s24], [sflag:$0x2] =	stream.indirect_vreg.gather [hbm4b:s12+s3], $0x80, v2, vm0, $0xb8;
	[tilespmem:$0x12000] =	vst v63  }
0xb9: {  	s24 =	simm.s32 $0xE800  }
0xba: {  	[tilespmem:s24], [sflag:$0x2] =	stream.indirect_vreg.gather [hbm4b:s13+s3], $0x80, v2, vm0, $0xb8;
	[tilespmem:$0x12000] =	vst v63  }
0xbb: {  	s24 =	simm.s32 $0xF000  }
0xbc: {  	[tilespmem:s24], [sflag:$0x2] =	stream.indirect_vreg.gather [hbm4b:s14+s3], $0x80, v2, vm0, $0xb8;
	[tilespmem:$0x12000] =	vst v63  }
0xbd: {  	s24 =	simm.s32 $0xF800  }
0xbe: {  	[tilespmem:s24], [sflag:$0x2] =	stream.indirect_vreg.gather [hbm4b:s15+s3], $0x80, v2, vm0, $0xb8;
	[tilespmem:$0x12000] =	vst v63  }
0xbf: {  	s24 =	simm.s32 $0x10000  }
0xc0: {  	[tilespmem:s24], [sflag:$0x2] =	stream.indirect_vreg.gather [hbm4b:s16+s3], $0x80, v2, vm0, $0xb8;
	[tilespmem:$0x12000] =	vst v63  }
0xc1: {  	s24 =	simm.s32 $0x10800  }
0xc2: {  	[tilespmem:s24], [sflag:$0x2] =	stream.indirect_vreg.gather [hbm4b:s17+s3], $0x80, v2, vm0, $0xb8;
	[tilespmem:$0x12000] =	vst v63  }
0xc3: {  	s24 =	simm.s32 $0x11000  }
0xc4: {  	[tilespmem:s24], [sflag:$0x2] =	stream.indirect_vreg.gather [hbm4b:s18+s3], $0x80, v2, vm0, $0xb8;
	[tilespmem:$0x12000] =	vst v63  }
0xc5: {  	s24 =	simm.s32 $0x11800  }
0xc6: {  	[tilespmem:s24], [sflag:$0x2] =	stream.indirect_vreg.gather [hbm4b:s19+s3], $0x80, v2, vm0, $0xb8;
	[tilespmem:$0x12000] =	vst v63  }
0xc7: {  	_ =	swait.ge [sflag:s26], $0x8000  }
0xc8: {  	[sflag:s26] =	ssyncset.done $0x0  }
0xc9: {  	s24 =	sadd.s32 $0x40, s21;
	[sflag:s26] =	ssyncadd.s32 $0xFFFF8000  }
0xca: {  	[hbm4b:s24+s1] =	stream.strided.scatter [tilespmem:s20], [sflag:$0x4], $0x8000, s4, s1, $0x38;
	[tilespmem:$0x12000] =	vst v63  }
0xcb: {  	_ =	swait.ge [sflag:s29], $0x8000  }
0xcc: {  	[sflag:s29] =	ssyncset.done $0x0  }
0xcd: {  	[sflag:s29] =	ssyncadd.s32 $0xFFFF8000  }
0xce: {  	v2 =	vld.msk [tilespmem:s23+$0x200], $0xf;
	_ =	sdelay $0x4  }
0xcf: {  	v3 =	vshll.u32 v2, $0x6  }
0xd0: {  	v2 =	vand.u32 $0x7, v2;
	v3 =	vand.u32 $0xFFFFFE00, v3  }
0xd1: {  	v2 =	vor.u32 v2, v3  }
0xd2: {  	v2 =	vperm.xlane v2, v0;
	_ =	sdelay $0x1  }
0xd3: {  	v2 =	vadd.s32 v1, v2;
	_ =	sdelay $0x4  }
0xd4: {  	[tilespmem:s0], [sflag:$0x1] =	stream.indirect_vreg.gather [hbm4b:s28+s3], $0x80, v2, vm0, $0xb8;
	[tilespmem:$0x12000] =	vst v63  }
0xd5: {  	s23 =	simm.s32 $0x2800  }
0xd6: {  	[tilespmem:s23], [sflag:$0x1] =	stream.indirect_vreg.gather [hbm4b:s5+s3], $0x80, v2, vm0, $0xb8;
	[tilespmem:$0x12000] =	vst v63  }
0xd7: {  	s24 =	simm.s32 $0x3000  }
0xd8: {  	[tilespmem:s24], [sflag:$0x1] =	stream.indirect_vreg.gather [hbm4b:s6+s3], $0x80, v2, vm0, $0xb8;
	[tilespmem:$0x12000] =	vst v63  }
0xd9: {  	_ = 	snop  }
0xda: {  	[tilespmem:s25], [sflag:$0x1] =	stream.indirect_vreg.gather [hbm4b:s7+s3], $0x80, v2, vm0, $0xb8;
	[tilespmem:$0x12000] =	vst v63  }
0xdb: {  	s20 =	simm.s32 $0x4000  }
0xdc: {  	[tilespmem:s20], [sflag:$0x1] =	stream.indirect_vreg.gather [hbm4b:s8+s3], $0x80, v2, vm0, $0xb8;
	[tilespmem:$0x12000] =	vst v63  }
0xdd: {  	_ = 	snop  }
0xde: {  	[tilespmem:s2], [sflag:$0x1] =	stream.indirect_vreg.gather [hbm4b:s9+s3], $0x80, v2, vm0, $0xb8;
	[tilespmem:$0x12000] =	vst v63  }
0xdf: {  	s0 =	simm.s32 $0x5000  }
0xe0: {  	[tilespmem:s0], [sflag:$0x1] =	stream.indirect_vreg.gather [hbm4b:s10+s3], $0x80, v2, vm0, $0xb8;
	[tilespmem:$0x12000] =	vst v63  }
0xe1: {  	s28 =	simm.s32 $0x5800  }
0xe2: {  	[tilespmem:s28], [sflag:$0x1] =	stream.indirect_vreg.gather [hbm4b:s11+s3], $0x80, v2, vm0, $0xb8;
	[tilespmem:$0x12000] =	vst v63  }
0xe3: {  	s20 =	simm.s32 $0x6000  }
0xe4: {  	[tilespmem:s20], [sflag:$0x1] =	stream.indirect_vreg.gather [hbm4b:s12+s3], $0x80, v2, vm0, $0xb8;
	[tilespmem:$0x12000] =	vst v63  }
0xe5: {  	s20 =	simm.s32 $0x6800  }
0xe6: {  	[tilespmem:s20], [sflag:$0x1] =	stream.indirect_vreg.gather [hbm4b:s13+s3], $0x80, v2, vm0, $0xb8;
	[tilespmem:$0x12000] =	vst v63  }
0xe7: {  	s20 =	simm.s32 $0x7000  }
0xe8: {  	[tilespmem:s20], [sflag:$0x1] =	stream.indirect_vreg.gather [hbm4b:s14+s3], $0x80, v2, vm0, $0xb8;
	[tilespmem:$0x12000] =	vst v63  }
0xe9: {  	s20 =	simm.s32 $0x7800  }
0xea: {  	[tilespmem:s20], [sflag:$0x1] =	stream.indirect_vreg.gather [hbm4b:s15+s3], $0x80, v2, vm0, $0xb8;
	[tilespmem:$0x12000] =	vst v63  }
0xeb: {  	s20 =	simm.s32 $0x8000  }
0xec: {  	[tilespmem:s20], [sflag:$0x1] =	stream.indirect_vreg.gather [hbm4b:s16+s3], $0x80, v2, vm0, $0xb8;
	[tilespmem:$0x12000] =	vst v63  }
0xed: {  	p0 =	sne.s32 s22, $0x7400;
	s20 =	simm.s32 $0x8800  }
0xee: {  	[tilespmem:s20], [sflag:$0x1] =	stream.indirect_vreg.gather [hbm4b:s17+s3], $0x80, v2, vm0, $0xb8;
	[tilespmem:$0x12000] =	vst v63  }
.Ltmp0:
0xef: {  	_ = 	snop;
	(pc) =	sbr.rel @p0 .LBB2_2-.Ltmp0, $4  }
0xf0: {  	s22 =	sadd.s32 $0x400, s22;
	s20 =	simm.s32 $0x9000  }
0xf1: {  	[tilespmem:s20], [sflag:$0x1] =	stream.indirect_vreg.gather [hbm4b:s18+s3], $0x80, v2, vm0, $0xb8;
	[tilespmem:$0x12000] =	vst v63  }
0xf2: {  	s21 =	sadd.s32 $0x2000, s21;
	s1 =	simm.s32 $0x2000;
	s20 =	simm.s32 $0x9800  }
0xf3: {  	[tilespmem:s20], [sflag:$0x1] =	stream.indirect_vreg.gather [hbm4b:s19+s3], $0x80, v2, vm0, $0xb8;
	[tilespmem:$0x12000] =	vst v63  }
0xf4: {  	_ =	swait.ge [sflag:s31], $0x8000  }
0xf5: {  	s20 =	simm.s32 $0x200;
	[sflag:s31] =	ssyncset.done $0x0  }
0xf6: {  	s4 =	simm.s32 $0x400;
	s21 =	rddreg [dreg:$0x7];
	[sflag:s31] =	ssyncadd.s32 $0xFFFF8000  }
0xf7: {  	[hbm4b:s21+s20] =	stream.strided.scatter [tilespmem:s1], [sflag:$0x3], $0x8000, s4, s20, $0x38;
	[tilespmem:$0x12000] =	vst v63  }
0xf8: {  	_ =	swait.ge [sflag:s30], $0x8000  }
0xf9: {  	[sflag:s30] =	ssyncset.done $0x0  }
0xfa: {  	[sflag:s30] =	ssyncadd.s32 $0xFFFF8000  }
0xfb: {  	v2 =	vld.msk [tilespmem:$0x1F80], $0xf;
	_ =	sdelay $0x4  }
0xfc: {  	v3 =	vshll.u32 v2, $0x6  }
0xfd: {  	v2 =	vand.u32 $0x7, v2;
	v3 =	vand.u32 $0xFFFFFE00, v3  }
0xfe: {  	v2 =	vor.u32 v2, v3  }
0xff: {  	v2 =	vperm.xlane v2, v0;
	_ =	sdelay $0x1  }
0x100: {  	v2 =	vadd.s32 v1, v2;
	_ =	sdelay $0x3  }
0x101: {  	s1 =	simm.s32 $0xA000;
	s2 =	rddreg [dreg:$0x1]  }
0x102: {  	[tilespmem:s1], [sflag:$0x2] =	stream.indirect_vreg.gather [hbm4b:s2+s3], $0x80, v2, vm0, $0xb8;
	[tilespmem:$0x12000] =	vst v63  }
0x103: {  	s21 =	simm.s32 $0xA800  }
0x104: {  	[tilespmem:s21], [sflag:$0x2] =	stream.indirect_vreg.gather [hbm4b:s5+s3], $0x80, v2, vm0, $0xb8;
	[tilespmem:$0x12000] =	vst v63  }
0x105: {  	s22 =	simm.s32 $0xB000  }
0x106: {  	[tilespmem:s22], [sflag:$0x2] =	stream.indirect_vreg.gather [hbm4b:s6+s3], $0x80, v2, vm0, $0xb8;
	[tilespmem:$0x12000] =	vst v63  }
0x107: {  	s25 =	simm.s32 $0xB800  }
0x108: {  	[tilespmem:s25], [sflag:$0x2] =	stream.indirect_vreg.gather [hbm4b:s7+s3], $0x80, v2, vm0, $0xb8;
	[tilespmem:$0x12000] =	vst v63  }
0x109: {  	s21 =	simm.s32 $0xC000  }
0x10a: {  	[tilespmem:s21], [sflag:$0x2] =	stream.indirect_vreg.gather [hbm4b:s8+s3], $0x80, v2, vm0, $0xb8;
	[tilespmem:$0x12000] =	vst v63  }
0x10b: {  	s22 =	simm.s32 $0xC800  }
0x10c: {  	[tilespmem:s22], [sflag:$0x2] =	stream.indirect_vreg.gather [hbm4b:s9+s3], $0x80, v2, vm0, $0xb8;
	[tilespmem:$0x12000] =	vst v63  }
0x10d: {  	s25 =	simm.s32 $0xD000  }
0x10e: {  	[tilespmem:s25], [sflag:$0x2] =	stream.indirect_vreg.gather [hbm4b:s10+s3], $0x80, v2, vm0, $0xb8;
	[tilespmem:$0x12000] =	vst v63  }
0x10f: {  	s21 =	simm.s32 $0xD800  }
0x110: {  	[tilespmem:s21], [sflag:$0x2] =	stream.indirect_vreg.gather [hbm4b:s11+s3], $0x80, v2, vm0, $0xb8;
	[tilespmem:$0x12000] =	vst v63  }
0x111: {  	s22 =	simm.s32 $0xE000  }
0x112: {  	[tilespmem:s22], [sflag:$0x2] =	stream.indirect_vreg.gather [hbm4b:s12+s3], $0x80, v2, vm0, $0xb8;
	[tilespmem:$0x12000] =	vst v63  }
0x113: {  	s25 =	simm.s32 $0xE800  }
0x114: {  	[tilespmem:s25], [sflag:$0x2] =	stream.indirect_vreg.gather [hbm4b:s13+s3], $0x80, v2, vm0, $0xb8;
	[tilespmem:$0x12000] =	vst v63  }
0x115: {  	s21 =	simm.s32 $0xF000  }
0x116: {  	[tilespmem:s21], [sflag:$0x2] =	stream.indirect_vreg.gather [hbm4b:s14+s3], $0x80, v2, vm0, $0xb8;
	[tilespmem:$0x12000] =	vst v63  }
0x117: {  	s22 =	simm.s32 $0xF800  }
0x118: {  	[tilespmem:s22], [sflag:$0x2] =	stream.indirect_vreg.gather [hbm4b:s15+s3], $0x80, v2, vm0, $0xb8;
	[tilespmem:$0x12000] =	vst v63  }
0x119: {  	s25 =	simm.s32 $0x10000  }
0x11a: {  	[tilespmem:s25], [sflag:$0x2] =	stream.indirect_vreg.gather [hbm4b:s16+s3], $0x80, v2, vm0, $0xb8;
	[tilespmem:$0x12000] =	vst v63  }
0x11b: {  	s21 =	simm.s32 $0x10800  }
0x11c: {  	[tilespmem:s21], [sflag:$0x2] =	stream.indirect_vreg.gather [hbm4b:s17+s3], $0x80, v2, vm0, $0xb8;
	[tilespmem:$0x12000] =	vst v63  }
0x11d: {  	s22 =	simm.s32 $0x11000  }
0x11e: {  	[tilespmem:s22], [sflag:$0x2] =	stream.indirect_vreg.gather [hbm4b:s18+s3], $0x80, v2, vm0, $0xb8;
	[tilespmem:$0x12000] =	vst v63  }
0x11f: {  	s25 =	simm.s32 $0x11800  }
0x120: {  	[tilespmem:s25], [sflag:$0x2] =	stream.indirect_vreg.gather [hbm4b:s19+s3], $0x80, v2, vm0, $0xb8;
	[tilespmem:$0x12000] =	vst v63  }
0x121: {  	_ =	swait.ge [sflag:s26], $0x8000  }
0x122: {  	[sflag:s26] =	ssyncset.done $0x0  }
0x123: {  	s2 =	rddreg [dreg:$0x8];
	[sflag:s26] =	ssyncadd.s32 $0xFFFF8000  }
0x124: {  	[hbm4b:s2+s20] =	stream.strided.scatter [tilespmem:s1], [sflag:$0x4], $0x8000, s4, s20, $0x38;
	[tilespmem:$0x12000] =	vst v63  }
0x125: {  	_ =	swait.ge [sflag:s29], $0x8000  }
0x126: {  	[sflag:s29] =	ssyncset.done $0x0  }
0x127: {  	[sflag:s29] =	ssyncadd.s32 $0xFFFF8000  }
0x128: {  	_ =	swait.ge [sflag:s30], $0x8000  }
0x129: {  	s22 =	rddreg [dreg:$0xb]  }
0x12a: {  	s25 =	rddreg [dreg:$0x9];
	s1 =	sadd.s32 $0x1, s22  }
0x12b: {  	p0 =	sne.s32 s1, s25  }
.Ltmp1:
0x12c: {  	_ = 	snop;
	(pc) =	sbr.rel @p0 .LBB2_1-.Ltmp1, $3  }
0x12d: {  	_ =	sdelay $0x1  }
0x12e: {  	s4 =	simm.s32 $0x3800;
	[sflag:s30] =	ssyncset.done $0x0  }
0x12f: {  	s20 =	simm.s32 $0x4800;
	[sflag:s30] =	ssyncadd.s32 $0xFFFF8000;
	s25 =	simm.s32 $0x4000  }
0x130: {  	_ =	sfence.sel $0x180000  }
0x131: {  	[bflag:$0x0] =	sbarrier.arrive $0xFFFF  }
0x132: {  	_ =	strace $0x90000047  }
0x133: {  	s0 =	stileid.u32;
	[bflag:$0x2] =	sbarrier.arrive $0xFFFF  }
0x134: {  	p0 =	sne.s32 s0, $0x0;
	s0 =	rddreg [dreg:$0x3]  }
0x135: {  	s0 =	sadd.s32 @!p0 $0x100000, s0  }
0x136: {  	[sflag:s0] =	ssyncadd.tile.s32 @!p0 $0x1;
	_ =	shalt  }
.Lfunc_end2:
_tile_overlayer_lowered:
.L_overlay_start_2:
0x137: {  	(tag) =	ssettag $0x2  }
0x138: {  	s0 =	rddreg [dreg:$0x0];
	s2 =	stileid.u32  }
0x139: {  	s1 =	rddreg [dreg:$0x1];
	p0 =	sne.s32 s2, $0x0  }
0x13a: {  	s3 =	rddreg [dreg:$0x2];
	[bflag:$0x3] =	sbarrier.arrive $0xFFFF;
	s2 =	simm.s32 @!p0 $0x1C05  }
0x13b: {  	[timem:s3], [sflag:s2] =	dma.local @!p0 [hbm:s0], s1  }
0x13c: {  	s0 =	simm.s32 @!p0 $0x5  }
0x13d: {  	_ =	swait.ge @!p0 [sflag:s0], s1  }
0x13e: {  	s1 =	ssub.s32 @!p0 $0x0, s1;
	[sflag:s0] =	ssyncset.done @!p0 $0x0  }
0x13f: {  	[sflag:s0] =	ssyncadd.s32 @!p0 s1  }
0x140: {  	[bflag:$0x3] =	sbarrier.arrive $0xFFFF  }
0x141: {  	_ =	shalt  }

</sc_bundles>
